<compile_context>
chip_gen: v7x
topology: tpu7x:2x2x1
jax: 0.10.2.dev20260603
libtpu: 0.0.44.dev20260713+nightly
codegen_flags: <defaults>
</compile_context>

<pallas_src>
import jax
import jax.numpy as jnp
from jax import lax
from jax.experimental import pallas as pl
from jax.experimental.pallas import tpu as pltpu
from jax.experimental.pallas import tpu_sc as plsc

NUM_CLASSES = 1000
B, F = 1024, 26
ROW = F * NUM_CLASSES
NW = 32
BPW = B // NW
XROW = 32


def _sc_body(xs_hbm, out_hbm, idx_v, buf0, buf1, buf2, buf3, sems):
    w = lax.axis_index("s") * 2 + lax.axis_index("c")
    base = w * BPW

    pltpu.sync_copy(xs_hbm.at[pl.ds(base * XROW, BPW * XROW)], idx_v)

    lanes = lax.iota(jnp.int32, 16)
    mask_hi = lanes < (F - 16)
    ones = jnp.full((16,), 1.0, jnp.float32)
    zeros = jnp.zeros((16,), jnp.float32)
    flat_lo = lanes * NUM_CLASSES
    flat_hi = (lanes + 16) * NUM_CLASSES

    bufs = (buf0, buf1, buf2, buf3)

    def _zero_chunk(i, carry):
        buf0[pl.ds(i * 16, 16)] = zeros
        buf1[pl.ds(i * 16, 16)] = zeros
        buf2[pl.ds(i * 16, 16)] = zeros
        buf3[pl.ds(i * 16, 16)] = zeros
        return carry

    lax.fori_loop(0, ROW // 16, _zero_chunk, 0)

    def _scatter(buf, t, vals):
        xl = idx_v[pl.ds(t * XROW, 16)]
        xh = idx_v[pl.ds(t * XROW + 16, 16)]
        plsc.store_scatter(buf, [flat_lo + xl], vals)
        plsc.store_scatter(buf, [flat_hi + xh], vals, mask=mask_hi)

    def _step(t, carry):
        for slot in (0, 1, 2, 3):
            @pl.when(lax.rem(t, 4) == slot)
            def _do(slot=slot):
                buf = bufs[slot]

                @pl.when(t >= 4)
                def _reuse():
                    pltpu.make_async_copy(
                        buf, out_hbm.at[base], sems.at[slot]
                    ).wait()
                    _scatter(buf, t - 4, zeros)

                _scatter(buf, t, ones)
                pltpu.make_async_copy(
                    buf, out_hbm.at[base + t], sems.at[slot]
                ).start()
        return carry

    lax.fori_loop(0, BPW, _step, 0)
    for slot in (0, 1, 2, 3):
        pltpu.make_async_copy(
            bufs[slot], out_hbm.at[base], sems.at[slot]
        ).wait()


def kernel(x):
    xs = jnp.pad(jnp.squeeze(x, -1), ((0, 0), (0, XROW - F))).reshape(-1)
    mesh = plsc.VectorSubcoreMesh(core_axis_name="c", subcore_axis_name="s")
    f = pl.kernel(
        _sc_body,
        out_type=jax.ShapeDtypeStruct((B, ROW), jnp.float32),
        mesh=mesh,
        compiler_params=pltpu.CompilerParams(
            needs_layout_passes=False,
            disable_bounds_checks=True,
            disable_semaphore_checks=True,
            skip_device_barrier=True,
        ),
        scratch_types=[
            pltpu.VMEM((BPW * XROW,), jnp.int32),
            pltpu.VMEM((ROW,), jnp.float32),
            pltpu.VMEM((ROW,), jnp.float32),
            pltpu.VMEM((ROW,), jnp.float32),
            pltpu.VMEM((ROW,), jnp.float32),
            pltpu.SemaphoreType.DMA((4,)),
        ],
    )
    return f(xs).reshape(B, F, NUM_CLASSES)

# --- scband reference (transcript-rebuilt; emitter-appended) ---
"""Pipeline reference for scband-one-hot-encoding-61168924229737 (READ-ONLY COPY).

The authoritative reference and input builder live on the scoring server;
editing this copy changes nothing except your own understanding.
"""

import jax, jax.numpy as jnp
import numpy as np

NUM_CLASSES = 1000

def setup_inputs(seed: int = 0) -> dict:
    key = jax.random.key(seed)
    x = jax.random.randint(key, (1024, 26, 1), 0, NUM_CLASSES, dtype=jnp.int32)
    return {"x": x}

def reference(x) -> jnp.ndarray:
    # torch: F.one_hot(x.long(), num_classes) -> squeeze(dim=-2) -> .to(float)
    oh = jax.nn.one_hot(x, NUM_CLASSES, dtype=jnp.float32)  # [B, F, 1, C]
    oh = jnp.squeeze(oh, axis=-2)                            # [B, F, C]
    return oh

if __name__ == "__main__":
    import jax
    _d = setup_inputs()
    print(jax.jit(kernel)(*tuple(_d.values())))

</pallas_src>

<mosaic_0001>
#map = affine_map<(d0, d1) -> (0)>
#map1 = affine_map<(d0, d1) -> (0, 0)>
module attributes {stable_mosaic.version = 14 : i64} {
  func.func @_sc_body(%arg0: i32, %arg1: i32, %arg2: memref<32768xi32, #tpu.memory_space<hbm>>, %arg3: memref<1024x26000xf32, #tpu.memory_space<hbm>>, %arg4: memref<1024xi32, #tpu.memory_space<vmem>>, %arg5: memref<26000xf32, #tpu.memory_space<vmem>>, %arg6: memref<26000xf32, #tpu.memory_space<vmem>>, %arg7: memref<26000xf32, #tpu.memory_space<vmem>>, %arg8: memref<26000xf32, #tpu.memory_space<vmem>>, %arg9: memref<4x!tpu.dma_semaphore, #tpu.memory_space<semaphore_mem>>) attributes {dimension_semantics = [#tpu.dimension_semantics<core_parallel>, #tpu.dimension_semantics<subcore_parallel>], iteration_bounds = array<i64: 2, 16>, scalar_prefetch = 0 : i64, scratch_operands = 6 : i64, tpu.core_type = #tpu.core_type<sc_vector_subcore>, window_params = [{transform_indices = #map}, {transform_indices = #map1}]} {
    %mul3A = arith.constant 2 : i32
    %mul3A_0 = arith.muli %arg1, %mul3A : i32
    %add3A = arith.addi %mul3A_0, %arg0 : i32
    %mul3A_1 = arith.constant 32 : i32
    %mul3A_2 = arith.muli %add3A, %mul3A_1 : i32
    %mul3A_3 = arith.constant 32 : i32
    %mul3A_4 = arith.muli %mul3A_2, %mul3A_3 : i32
    "tpu.region"() ({
      %run_scoped3A = tpu.sem_alloc : memref<!tpu.dma_semaphore, #tpu.memory_space<semaphore_mem>>
      %dma_start3A = tpu.memref_slice %arg2[%mul3A_4] : memref<32768xi32, #tpu.memory_space<hbm>> -> memref<1024xi32, #tpu.memory_space<hbm>>
      %dma_start3A_65 = tpu.memref_slice %arg2[%mul3A_4] : memref<32768xi32, #tpu.memory_space<hbm>> -> memref<1024xi32, #tpu.memory_space<hbm>>
      tpu.enqueue_dma source(%dma_start3A_65 : memref<1024xi32, #tpu.memory_space<hbm>>) target(%arg4 : memref<1024xi32, #tpu.memory_space<vmem>>) target_semaphore(%run_scoped3A : memref<!tpu.dma_semaphore, #tpu.memory_space<semaphore_mem>>)
      %dma_wait3A_66 = tpu.memref_slice %arg2[%mul3A_4] : memref<32768xi32, #tpu.memory_space<hbm>> -> memref<1024xi32, #tpu.memory_space<hbm>>
      %dma_wait3A_67 = tpu.memref_slice %arg2[%mul3A_4] : memref<32768xi32, #tpu.memory_space<hbm>> -> memref<1024xi32, #tpu.memory_space<hbm>>
      tpu.wait_dma2 semaphore(%run_scoped3A : memref<!tpu.dma_semaphore, #tpu.memory_space<semaphore_mem>>) src(%dma_wait3A_67 : memref<1024xi32, #tpu.memory_space<hbm>>) dst(%arg4 : memref<1024xi32, #tpu.memory_space<vmem>>)
      tpu.yield
    }) : () -> ()
    %iota3A = tpu.iota {dimensions = array<i32: 0>} : vector<16xi32>
    %lt3A = arith.constant 10 : i32
    %lt3A_5 = vector.broadcast %lt3A : i32 to vector<16xi32>
    %lt3A_6 = arith.cmpi slt, %iota3A, %lt3A_5 : vector<16xi32>
    %broadcast_in_dim3A = arith.constant 1.000000e+00 : f32
    %broadcast_in_dim3A_7 = vector.broadcast %broadcast_in_dim3A : f32 to vector<16xf32>
    %broadcast_in_dim3A_8 = arith.constant 0.000000e+00 : f32
    %broadcast_in_dim3A_9 = vector.broadcast %broadcast_in_dim3A_8 : f32 to vector<16xf32>
    %mul3A_10 = arith.constant 1000 : i32
    %mul3A_11 = vector.broadcast %mul3A_10 : i32 to vector<16xi32>
    %mul3A_12 = arith.muli %iota3A, %mul3A_11 : vector<16xi32>
    %add3A_13 = arith.constant 16 : i32
    %add3A_14 = vector.broadcast %add3A_13 : i32 to vector<16xi32>
    %add3A_15 = arith.addi %iota3A, %add3A_14 : vector<16xi32>
    %mul3A_16 = arith.constant 1000 : i32
    %mul3A_17 = vector.broadcast %mul3A_16 : i32 to vector<16xi32>
    %mul3A_18 = arith.muli %add3A_15, %mul3A_17 : vector<16xi32>
    %scan3A = arith.constant 0 : i32
    %scan3A_19 = arith.constant 0 : i32
    %scan3A_20 = arith.constant 1625 : i32
    %scan3A_21 = arith.addi %scan3A_19, %scan3A_20 : i32
    %scan3A_22 = arith.constant 1 : i32
    scf.for %scan3A_65 = %scan3A_19 to %scan3A_21 step %scan3A_22  : i32 {
      %mul3A_66 = arith.constant 16 : i32
      %mul3A_67 = arith.muli %scan3A_65, %mul3A_66 : i32
      %swap3A = arith.index_cast %mul3A_67 : i32 to index
      %swap3A_68 = tpu.vector_load %arg5[%swap3A] {strides = array<i32>} : memref<26000xf32, #tpu.memory_space<vmem>>, vector<16xf32>,
      tpu.vector_store %arg5[%swap3A], %broadcast_in_dim3A_9 {strides = array<i32>} : memref<26000xf32, #tpu.memory_space<vmem>>, vector<16xf32>,
      %mul3A_69 = arith.constant 16 : i32
      %mul3A_70 = arith.muli %scan3A_65, %mul3A_69 : i32
      %swap3A_71 = arith.index_cast %mul3A_70 : i32 to index
      %swap3A_72 = tpu.vector_load %arg6[%swap3A_71] {strides = array<i32>} : memref<26000xf32, #tpu.memory_space<vmem>>, vector<16xf32>,
      tpu.vector_store %arg6[%swap3A_71], %broadcast_in_dim3A_9 {strides = array<i32>} : memref<26000xf32, #tpu.memory_space<vmem>>, vector<16xf32>,
      %mul3A_73 = arith.constant 16 : i32
      %mul3A_74 = arith.muli %scan3A_65, %mul3A_73 : i32
      %swap3A_75 = arith.index_cast %mul3A_74 : i32 to index
      %swap3A_76 = tpu.vector_load %arg7[%swap3A_75] {strides = array<i32>} : memref<26000xf32, #tpu.memory_space<vmem>>, vector<16xf32>,
      tpu.vector_store %arg7[%swap3A_75], %broadcast_in_dim3A_9 {strides = array<i32>} : memref<26000xf32, #tpu.memory_space<vmem>>, vector<16xf32>,
      %mul3A_77 = arith.constant 16 : i32
      %mul3A_78 = arith.muli %scan3A_65, %mul3A_77 : i32
      %swap3A_79 = arith.index_cast %mul3A_78 : i32 to index
      %swap3A_80 = tpu.vector_load %arg8[%swap3A_79] {strides = array<i32>} : memref<26000xf32, #tpu.memory_space<vmem>>, vector<16xf32>,
      tpu.vector_store %arg8[%swap3A_79], %broadcast_in_dim3A_9 {strides = array<i32>} : memref<26000xf32, #tpu.memory_space<vmem>>, vector<16xf32>,
    }
    %scan3A_23 = arith.constant 1625 : i32
    %scan3A_24 = arith.constant 0 : i32
    %scan3A_25 = arith.constant 0 : i32
    %scan3A_26 = arith.constant 32 : i32
    %scan3A_27 = arith.addi %scan3A_25, %scan3A_26 : i32
    %scan3A_28 = arith.constant 1 : i32
    scf.for %scan3A_65 = %scan3A_25 to %scan3A_27 step %scan3A_28  : i32 {
      %rem3A = arith.constant 4 : i32
      %rem3A_66 = arith.remsi %scan3A_65, %rem3A : i32
      %eq3A = arith.constant 0 : i32
      %eq3A_67 = arith.cmpi eq, %rem3A_66, %eq3A : i32
      %convert_element_type3A = arith.extui %eq3A_67 : i1 to i32
      %cond3A = arith.constant 0 : i32
      %cond3A_68 = arith.cmpi ne, %convert_element_type3A, %cond3A : i32
      scf.if %cond3A_68 {
        %ge3A = arith.constant 4 : i32
        %ge3A_90 = arith.cmpi sge, %scan3A_65, %ge3A : i32
        %convert_element_type3A_91 = arith.extui %ge3A_90 : i1 to i32
        %cond3A_92 = arith.constant 0 : i32
        %cond3A_93 = arith.cmpi ne, %convert_element_type3A_91, %cond3A_92 : i32
        scf.if %cond3A_93 {
          %dma_wait3A_114 = arith.constant 0 : i32
          %dma_wait3A_115 = arith.constant 0 : i32
          %dma_wait3A_116 = tpu.memref_slice %arg3[%mul3A_2, %dma_wait3A_115] : memref<1024x26000xf32, #tpu.memory_space<hbm>> -> memref<1x26000xf32, #tpu.memory_space<hbm>>
          %dma_wait3A_117 = tpu.memref_squeeze %dma_wait3A_116 : memref<1x26000xf32, #tpu.memory_space<hbm>> -> memref<26000xf32, #tpu.memory_space<hbm>>
          %dma_wait3A_118 = tpu.memref_slice %arg9[%dma_wait3A_114] : memref<4x!tpu.dma_semaphore, #tpu.memory_space<semaphore_mem>> -> memref<1x!tpu.dma_semaphore, #tpu.memory_space<semaphore_mem>>
          %dma_wait3A_119 = tpu.memref_squeeze %dma_wait3A_118 : memref<1x!tpu.dma_semaphore, #tpu.memory_space<semaphore_mem>> -> memref<!tpu.dma_semaphore, #tpu.memory_space<semaphore_mem>>
          %dma_wait3A_120 = arith.constant 0 : i32
          %dma_wait3A_121 = tpu.memref_slice %arg3[%mul3A_2, %dma_wait3A_120] : memref<1024x26000xf32, #tpu.memory_space<hbm>> -> memref<1x26000xf32, #tpu.memory_space<hbm>>
          %dma_wait3A_122 = tpu.memref_squeeze %dma_wait3A_121 : memref<1x26000xf32, #tpu.memory_space<hbm>> -> memref<26000xf32, #tpu.memory_space<hbm>>
          tpu.wait_dma2 semaphore(%dma_wait3A_119 : memref<!tpu.dma_semaphore, #tpu.memory_space<semaphore_mem>>) src(%arg5 : memref<26000xf32, #tpu.memory_space<vmem>>) dst(%dma_wait3A_122 : memref<26000xf32, #tpu.memory_space<hbm>>)
          %sub3A = arith.constant 4 : i32
          %sub3A_123 = arith.subi %scan3A_65, %sub3A : i32
          %mul3A_124 = arith.constant 32 : i32
          %mul3A_125 = arith.muli %sub3A_123, %mul3A_124 : i32
          %get3A_126 = arith.index_cast %mul3A_125 : i32 to index
          %get3A_127 = tpu.vector_load %arg4[%get3A_126] {strides = array<i32>} : memref<1024xi32, #tpu.memory_space<vmem>>, vector<16xi32>,
          %mul3A_128 = arith.constant 32 : i32
          %mul3A_129 = arith.muli %sub3A_123, %mul3A_128 : i32
          %add3A_130 = arith.constant 16 : i32
          %add3A_131 = arith.addi %mul3A_129, %add3A_130 : i32
          %get3A_132 = arith.index_cast %add3A_131 : i32 to index
          %get3A_133 = tpu.vector_load %arg4[%get3A_132] {strides = array<i32>} : memref<1024xi32, #tpu.memory_space<vmem>>, vector<16xi32>,
          %add3A_134 = arith.addi %mul3A_12, %get3A_127 : vector<16xi32>
          tpu.vector_store_idx %arg5[%add3A_134], %broadcast_in_dim3A_9 : memref<26000xf32, #tpu.memory_space<vmem>>[vector<16xi32>], vector<16xf32>,
          %add3A_135 = arith.addi %mul3A_18, %get3A_133 : vector<16xi32>
          tpu.vector_store_idx %arg5[%add3A_135], %broadcast_in_dim3A_9 masked %lt3A_6 : memref<26000xf32, #tpu.memory_space<vmem>>[vector<16xi32>], vector<16xf32>, vector<16xi1>
        } else {
        }
        %mul3A_94 = arith.constant 32 : i32
        %mul3A_95 = arith.muli %scan3A_65, %mul3A_94 : i32
        %get3A = arith.index_cast %mul3A_95 : i32 to index
        %get3A_96 = tpu.vector_load %arg4[%get3A] {strides = array<i32>} : memref<1024xi32, #tpu.memory_space<vmem>>, vector<16xi32>,
        %mul3A_97 = arith.constant 32 : i32
        %mul3A_98 = arith.muli %scan3A_65, %mul3A_97 : i32
        %add3A_99 = arith.constant 16 : i32
        %add3A_100 = arith.addi %mul3A_98, %add3A_99 : i32
        %get3A_101 = arith.index_cast %add3A_100 : i32 to index
        %get3A_102 = tpu.vector_load %arg4[%get3A_101] {strides = array<i32>} : memref<1024xi32, #tpu.memory_space<vmem>>, vector<16xi32>,
        %add3A_103 = arith.addi %mul3A_12, %get3A_96 : vector<16xi32>
        tpu.vector_store_idx %arg5[%add3A_103], %broadcast_in_dim3A_7 : memref<26000xf32, #tpu.memory_space<vmem>>[vector<16xi32>], vector<16xf32>,
        %add3A_104 = arith.addi %mul3A_18, %get3A_102 : vector<16xi32>
        tpu.vector_store_idx %arg5[%add3A_104], %broadcast_in_dim3A_7 masked %lt3A_6 : memref<26000xf32, #tpu.memory_space<vmem>>[vector<16xi32>], vector<16xf32>, vector<16xi1>
        %add3A_105 = arith.addi %mul3A_2, %scan3A_65 : i32
        %dma_start3A = arith.constant 0 : i32
        %dma_start3A_106 = arith.constant 0 : i32
        %dma_start3A_107 = tpu.memref_slice %arg3[%add3A_105, %dma_start3A_106] : memref<1024x26000xf32, #tpu.memory_space<hbm>> -> memref<1x26000xf32, #tpu.memory_space<hbm>>
        %dma_start3A_108 = tpu.memref_squeeze %dma_start3A_107 : memref<1x26000xf32, #tpu.memory_space<hbm>> -> memref<26000xf32, #tpu.memory_space<hbm>>
        %dma_start3A_109 = tpu.memref_slice %arg9[%dma_start3A] : memref<4x!tpu.dma_semaphore, #tpu.memory_space<semaphore_mem>> -> memref<1x!tpu.dma_semaphore, #tpu.memory_space<semaphore_mem>>
        %dma_start3A_110 = tpu.memref_squeeze %dma_start3A_109 : memref<1x!tpu.dma_semaphore, #tpu.memory_space<semaphore_mem>> -> memref<!tpu.dma_semaphore, #tpu.memory_space<semaphore_mem>>
        %dma_start3A_111 = arith.constant 0 : i32
        %dma_start3A_112 = tpu.memref_slice %arg3[%add3A_105, %dma_start3A_111] : memref<1024x26000xf32, #tpu.memory_space<hbm>> -> memref<1x26000xf32, #tpu.memory_space<hbm>>
        %dma_start3A_113 = tpu.memref_squeeze %dma_start3A_112 : memref<1x26000xf32, #tpu.memory_space<hbm>> -> memref<26000xf32, #tpu.memory_space<hbm>>
        tpu.enqueue_dma source(%arg5 : memref<26000xf32, #tpu.memory_space<vmem>>) target(%dma_start3A_113 : memref<26000xf32, #tpu.memory_space<hbm>>) target_semaphore(%dma_start3A_110 : memref<!tpu.dma_semaphore, #tpu.memory_space<semaphore_mem>>)
      } else {
      }
      %rem3A_69 = arith.constant 4 : i32
      %rem3A_70 = arith.remsi %scan3A_65, %rem3A_69 : i32
      %eq3A_71 = arith.constant 1 : i32
      %eq3A_72 = arith.cmpi eq, %rem3A_70, %eq3A_71 : i32
      %convert_element_type3A_73 = arith.extui %eq3A_72 : i1 to i32
      %cond3A_74 = arith.constant 0 : i32
      %cond3A_75 = arith.cmpi ne, %convert_element_type3A_73, %cond3A_74 : i32
      scf.if %cond3A_75 {
        %ge3A = arith.constant 4 : i32
        %ge3A_90 = arith.cmpi sge, %scan3A_65, %ge3A : i32
        %convert_element_type3A_91 = arith.extui %ge3A_90 : i1 to i32
        %cond3A_92 = arith.constant 0 : i32
        %cond3A_93 = arith.cmpi ne, %convert_element_type3A_91, %cond3A_92 : i32
        scf.if %cond3A_93 {
          %dma_wait3A_114 = arith.constant 1 : i32
          %dma_wait3A_115 = arith.constant 0 : i32
          %dma_wait3A_116 = tpu.memref_slice %arg3[%mul3A_2, %dma_wait3A_115] : memref<1024x26000xf32, #tpu.memory_space<hbm>> -> memref<1x26000xf32, #tpu.memory_space<hbm>>
          %dma_wait3A_117 = tpu.memref_squeeze %dma_wait3A_116 : memref<1x26000xf32, #tpu.memory_space<hbm>> -> memref<26000xf32, #tpu.memory_space<hbm>>
          %dma_wait3A_118 = tpu.memref_slice %arg9[%dma_wait3A_114] : memref<4x!tpu.dma_semaphore, #tpu.memory_space<semaphore_mem>> -> memref<1x!tpu.dma_semaphore, #tpu.memory_space<semaphore_mem>>
          %dma_wait3A_119 = tpu.memref_squeeze %dma_wait3A_118 : memref<1x!tpu.dma_semaphore, #tpu.memory_space<semaphore_mem>> -> memref<!tpu.dma_semaphore, #tpu.memory_space<semaphore_mem>>
          %dma_wait3A_120 = arith.constant 0 : i32
          %dma_wait3A_121 = tpu.memref_slice %arg3[%mul3A_2, %dma_wait3A_120] : memref<1024x26000xf32, #tpu.memory_space<hbm>> -> memref<1x26000xf32, #tpu.memory_space<hbm>>
          %dma_wait3A_122 = tpu.memref_squeeze %dma_wait3A_121 : memref<1x26000xf32, #tpu.memory_space<hbm>> -> memref<26000xf32, #tpu.memory_space<hbm>>
          tpu.wait_dma2 semaphore(%dma_wait3A_119 : memref<!tpu.dma_semaphore, #tpu.memory_space<semaphore_mem>>) src(%arg6 : memref<26000xf32, #tpu.memory_space<vmem>>) dst(%dma_wait3A_122 : memref<26000xf32, #tpu.memory_space<hbm>>)
          %sub3A = arith.constant 4 : i32
          %sub3A_123 = arith.subi %scan3A_65, %sub3A : i32
          %mul3A_124 = arith.constant 32 : i32
          %mul3A_125 = arith.muli %sub3A_123, %mul3A_124 : i32
          %get3A_126 = arith.index_cast %mul3A_125 : i32 to index
          %get3A_127 = tpu.vector_load %arg4[%get3A_126] {strides = array<i32>} : memref<1024xi32, #tpu.memory_space<vmem>>, vector<16xi32>,
          %mul3A_128 = arith.constant 32 : i32
          %mul3A_129 = arith.muli %sub3A_123, %mul3A_128 : i32
          %add3A_130 = arith.constant 16 : i32
          %add3A_131 = arith.addi %mul3A_129, %add3A_130 : i32
          %get3A_132 = arith.index_cast %add3A_131 : i32 to index
          %get3A_133 = tpu.vector_load %arg4[%get3A_132] {strides = array<i32>} : memref<1024xi32, #tpu.memory_space<vmem>>, vector<16xi32>,
          %add3A_134 = arith.addi %mul3A_12, %get3A_127 : vector<16xi32>
          tpu.vector_store_idx %arg6[%add3A_134], %broadcast_in_dim3A_9 : memref<26000xf32, #tpu.memory_space<vmem>>[vector<16xi32>], vector<16xf32>,
          %add3A_135 = arith.addi %mul3A_18, %get3A_133 : vector<16xi32>
          tpu.vector_store_idx %arg6[%add3A_135], %broadcast_in_dim3A_9 masked %lt3A_6 : memref<26000xf32, #tpu.memory_space<vmem>>[vector<16xi32>], vector<16xf32>, vector<16xi1>
        } else {
        }
        %mul3A_94 = arith.constant 32 : i32
        %mul3A_95 = arith.muli %scan3A_65, %mul3A_94 : i32
        %get3A = arith.index_cast %mul3A_95 : i32 to index
        %get3A_96 = tpu.vector_load %arg4[%get3A] {strides = array<i32>} : memref<1024xi32, #tpu.memory_space<vmem>>, vector<16xi32>,
        %mul3A_97 = arith.constant 32 : i32
        %mul3A_98 = arith.muli %scan3A_65, %mul3A_97 : i32
        %add3A_99 = arith.constant 16 : i32
        %add3A_100 = arith.addi %mul3A_98, %add3A_99 : i32
        %get3A_101 = arith.index_cast %add3A_100 : i32 to index
        %get3A_102 = tpu.vector_load %arg4[%get3A_101] {strides = array<i32>} : memref<1024xi32, #tpu.memory_space<vmem>>, vector<16xi32>,
        %add3A_103 = arith.addi %mul3A_12, %get3A_96 : vector<16xi32>
        tpu.vector_store_idx %arg6[%add3A_103], %broadcast_in_dim3A_7 : memref<26000xf32, #tpu.memory_space<vmem>>[vector<16xi32>], vector<16xf32>,
        %add3A_104 = arith.addi %mul3A_18, %get3A_102 : vector<16xi32>
        tpu.vector_store_idx %arg6[%add3A_104], %broadcast_in_dim3A_7 masked %lt3A_6 : memref<26000xf32, #tpu.memory_space<vmem>>[vector<16xi32>], vector<16xf32>, vector<16xi1>
        %add3A_105 = arith.addi %mul3A_2, %scan3A_65 : i32
        %dma_start3A = arith.constant 1 : i32
        %dma_start3A_106 = arith.constant 0 : i32
        %dma_start3A_107 = tpu.memref_slice %arg3[%add3A_105, %dma_start3A_106] : memref<1024x26000xf32, #tpu.memory_space<hbm>> -> memref<1x26000xf32, #tpu.memory_space<hbm>>
        %dma_start3A_108 = tpu.memref_squeeze %dma_start3A_107 : memref<1x26000xf32, #tpu.memory_space<hbm>> -> memref<26000xf32, #tpu.memory_space<hbm>>
        %dma_start3A_109 = tpu.memref_slice %arg9[%dma_start3A] : memref<4x!tpu.dma_semaphore, #tpu.memory_space<semaphore_mem>> -> memref<1x!tpu.dma_semaphore, #tpu.memory_space<semaphore_mem>>
        %dma_start3A_110 = tpu.memref_squeeze %dma_start3A_109 : memref<1x!tpu.dma_semaphore, #tpu.memory_space<semaphore_mem>> -> memref<!tpu.dma_semaphore, #tpu.memory_space<semaphore_mem>>
        %dma_start3A_111 = arith.constant 0 : i32
        %dma_start3A_112 = tpu.memref_slice %arg3[%add3A_105, %dma_start3A_111] : memref<1024x26000xf32, #tpu.memory_space<hbm>> -> memref<1x26000xf32, #tpu.memory_space<hbm>>
        %dma_start3A_113 = tpu.memref_squeeze %dma_start3A_112 : memref<1x26000xf32, #tpu.memory_space<hbm>> -> memref<26000xf32, #tpu.memory_space<hbm>>
        tpu.enqueue_dma source(%arg6 : memref<26000xf32, #tpu.memory_space<vmem>>) target(%dma_start3A_113 : memref<26000xf32, #tpu.memory_space<hbm>>) target_semaphore(%dma_start3A_110 : memref<!tpu.dma_semaphore, #tpu.memory_space<semaphore_mem>>)
      } else {
      }
      %rem3A_76 = arith.constant 4 : i32
      %rem3A_77 = arith.remsi %scan3A_65, %rem3A_76 : i32
      %eq3A_78 = arith.constant 2 : i32
      %eq3A_79 = arith.cmpi eq, %rem3A_77, %eq3A_78 : i32
      %convert_element_type3A_80 = arith.extui %eq3A_79 : i1 to i32
      %cond3A_81 = arith.constant 0 : i32
      %cond3A_82 = arith.cmpi ne, %convert_element_type3A_80, %cond3A_81 : i32
      scf.if %cond3A_82 {
        %ge3A = arith.constant 4 : i32
        %ge3A_90 = arith.cmpi sge, %scan3A_65, %ge3A : i32
        %convert_element_type3A_91 = arith.extui %ge3A_90 : i1 to i32
        %cond3A_92 = arith.constant 0 : i32
        %cond3A_93 = arith.cmpi ne, %convert_element_type3A_91, %cond3A_92 : i32
        scf.if %cond3A_93 {
          %dma_wait3A_114 = arith.constant 2 : i32
          %dma_wait3A_115 = arith.constant 0 : i32
          %dma_wait3A_116 = tpu.memref_slice %arg3[%mul3A_2, %dma_wait3A_115] : memref<1024x26000xf32, #tpu.memory_space<hbm>> -> memref<1x26000xf32, #tpu.memory_space<hbm>>
          %dma_wait3A_117 = tpu.memref_squeeze %dma_wait3A_116 : memref<1x26000xf32, #tpu.memory_space<hbm>> -> memref<26000xf32, #tpu.memory_space<hbm>>
          %dma_wait3A_118 = tpu.memref_slice %arg9[%dma_wait3A_114] : memref<4x!tpu.dma_semaphore, #tpu.memory_space<semaphore_mem>> -> memref<1x!tpu.dma_semaphore, #tpu.memory_space<semaphore_mem>>
          %dma_wait3A_119 = tpu.memref_squeeze %dma_wait3A_118 : memref<1x!tpu.dma_semaphore, #tpu.memory_space<semaphore_mem>> -> memref<!tpu.dma_semaphore, #tpu.memory_space<semaphore_mem>>
          %dma_wait3A_120 = arith.constant 0 : i32
          %dma_wait3A_121 = tpu.memref_slice %arg3[%mul3A_2, %dma_wait3A_120] : memref<1024x26000xf32, #tpu.memory_space<hbm>> -> memref<1x26000xf32, #tpu.memory_space<hbm>>
          %dma_wait3A_122 = tpu.memref_squeeze %dma_wait3A_121 : memref<1x26000xf32, #tpu.memory_space<hbm>> -> memref<26000xf32, #tpu.memory_space<hbm>>
          tpu.wait_dma2 semaphore(%dma_wait3A_119 : memref<!tpu.dma_semaphore, #tpu.memory_space<semaphore_mem>>) src(%arg7 : memref<26000xf32, #tpu.memory_space<vmem>>) dst(%dma_wait3A_122 : memref<26000xf32, #tpu.memory_space<hbm>>)
          %sub3A = arith.constant 4 : i32
          %sub3A_123 = arith.subi %scan3A_65, %sub3A : i32
          %mul3A_124 = arith.constant 32 : i32
          %mul3A_125 = arith.muli %sub3A_123, %mul3A_124 : i32
          %get3A_126 = arith.index_cast %mul3A_125 : i32 to index
          %get3A_127 = tpu.vector_load %arg4[%get3A_126] {strides = array<i32>} : memref<1024xi32, #tpu.memory_space<vmem>>, vector<16xi32>,
          %mul3A_128 = arith.constant 32 : i32
          %mul3A_129 = arith.muli %sub3A_123, %mul3A_128 : i32
          %add3A_130 = arith.constant 16 : i32
          %add3A_131 = arith.addi %mul3A_129, %add3A_130 : i32
          %get3A_132 = arith.index_cast %add3A_131 : i32 to index
          %get3A_133 = tpu.vector_load %arg4[%get3A_132] {strides = array<i32>} : memref<1024xi32, #tpu.memory_space<vmem>>, vector<16xi32>,
          %add3A_134 = arith.addi %mul3A_12, %get3A_127 : vector<16xi32>
          tpu.vector_store_idx %arg7[%add3A_134], %broadcast_in_dim3A_9 : memref<26000xf32, #tpu.memory_space<vmem>>[vector<16xi32>], vector<16xf32>,
          %add3A_135 = arith.addi %mul3A_18, %get3A_133 : vector<16xi32>
          tpu.vector_store_idx %arg7[%add3A_135], %broadcast_in_dim3A_9 masked %lt3A_6 : memref<26000xf32, #tpu.memory_space<vmem>>[vector<16xi32>], vector<16xf32>, vector<16xi1>
        } else {
        }
        %mul3A_94 = arith.constant 32 : i32
        %mul3A_95 = arith.muli %scan3A_65, %mul3A_94 : i32
        %get3A = arith.index_cast %mul3A_95 : i32 to index
        %get3A_96 = tpu.vector_load %arg4[%get3A] {strides = array<i32>} : memref<1024xi32, #tpu.memory_space<vmem>>, vector<16xi32>,
        %mul3A_97 = arith.constant 32 : i32
        %mul3A_98 = arith.muli %scan3A_65, %mul3A_97 : i32
        %add3A_99 = arith.constant 16 : i32
        %add3A_100 = arith.addi %mul3A_98, %add3A_99 : i32
        %get3A_101 = arith.index_cast %add3A_100 : i32 to index
        %get3A_102 = tpu.vector_load %arg4[%get3A_101] {strides = array<i32>} : memref<1024xi32, #tpu.memory_space<vmem>>, vector<16xi32>,
        %add3A_103 = arith.addi %mul3A_12, %get3A_96 : vector<16xi32>
        tpu.vector_store_idx %arg7[%add3A_103], %broadcast_in_dim3A_7 : memref<26000xf32, #tpu.memory_space<vmem>>[vector<16xi32>], vector<16xf32>,
        %add3A_104 = arith.addi %mul3A_18, %get3A_102 : vector<16xi32>
        tpu.vector_store_idx %arg7[%add3A_104], %broadcast_in_dim3A_7 masked %lt3A_6 : memref<26000xf32, #tpu.memory_space<vmem>>[vector<16xi32>], vector<16xf32>, vector<16xi1>
        %add3A_105 = arith.addi %mul3A_2, %scan3A_65 : i32
        %dma_start3A = arith.constant 2 : i32
        %dma_start3A_106 = arith.constant 0 : i32
        %dma_start3A_107 = tpu.memref_slice %arg3[%add3A_105, %dma_start3A_106] : memref<1024x26000xf32, #tpu.memory_space<hbm>> -> memref<1x26000xf32, #tpu.memory_space<hbm>>
        %dma_start3A_108 = tpu.memref_squeeze %dma_start3A_107 : memref<1x26000xf32, #tpu.memory_space<hbm>> -> memref<26000xf32, #tpu.memory_space<hbm>>
        %dma_start3A_109 = tpu.memref_slice %arg9[%dma_start3A] : memref<4x!tpu.dma_semaphore, #tpu.memory_space<semaphore_mem>> -> memref<1x!tpu.dma_semaphore, #tpu.memory_space<semaphore_mem>>
        %dma_start3A_110 = tpu.memref_squeeze %dma_start3A_109 : memref<1x!tpu.dma_semaphore, #tpu.memory_space<semaphore_mem>> -> memref<!tpu.dma_semaphore, #tpu.memory_space<semaphore_mem>>
        %dma_start3A_111 = arith.constant 0 : i32
        %dma_start3A_112 = tpu.memref_slice %arg3[%add3A_105, %dma_start3A_111] : memref<1024x26000xf32, #tpu.memory_space<hbm>> -> memref<1x26000xf32, #tpu.memory_space<hbm>>
        %dma_start3A_113 = tpu.memref_squeeze %dma_start3A_112 : memref<1x26000xf32, #tpu.memory_space<hbm>> -> memref<26000xf32, #tpu.memory_space<hbm>>
        tpu.enqueue_dma source(%arg7 : memref<26000xf32, #tpu.memory_space<vmem>>) target(%dma_start3A_113 : memref<26000xf32, #tpu.memory_space<hbm>>) target_semaphore(%dma_start3A_110 : memref<!tpu.dma_semaphore, #tpu.memory_space<semaphore_mem>>)
      } else {
      }
      %rem3A_83 = arith.constant 4 : i32
      %rem3A_84 = arith.remsi %scan3A_65, %rem3A_83 : i32
      %eq3A_85 = arith.constant 3 : i32
      %eq3A_86 = arith.cmpi eq, %rem3A_84, %eq3A_85 : i32
      %convert_element_type3A_87 = arith.extui %eq3A_86 : i1 to i32
      %cond3A_88 = arith.constant 0 : i32
      %cond3A_89 = arith.cmpi ne, %convert_element_type3A_87, %cond3A_88 : i32
      scf.if %cond3A_89 {
        %ge3A = arith.constant 4 : i32
        %ge3A_90 = arith.cmpi sge, %scan3A_65, %ge3A : i32
        %convert_element_type3A_91 = arith.extui %ge3A_90 : i1 to i32
        %cond3A_92 = arith.constant 0 : i32
        %cond3A_93 = arith.cmpi ne, %convert_element_type3A_91, %cond3A_92 : i32
        scf.if %cond3A_93 {
          %dma_wait3A_114 = arith.constant 3 : i32
          %dma_wait3A_115 = arith.constant 0 : i32
          %dma_wait3A_116 = tpu.memref_slice %arg3[%mul3A_2, %dma_wait3A_115] : memref<1024x26000xf32, #tpu.memory_space<hbm>> -> memref<1x26000xf32, #tpu.memory_space<hbm>>
          %dma_wait3A_117 = tpu.memref_squeeze %dma_wait3A_116 : memref<1x26000xf32, #tpu.memory_space<hbm>> -> memref<26000xf32, #tpu.memory_space<hbm>>
          %dma_wait3A_118 = tpu.memref_slice %arg9[%dma_wait3A_114] : memref<4x!tpu.dma_semaphore, #tpu.memory_space<semaphore_mem>> -> memref<1x!tpu.dma_semaphore, #tpu.memory_space<semaphore_mem>>
          %dma_wait3A_119 = tpu.memref_squeeze %dma_wait3A_118 : memref<1x!tpu.dma_semaphore, #tpu.memory_space<semaphore_mem>> -> memref<!tpu.dma_semaphore, #tpu.memory_space<semaphore_mem>>
          %dma_wait3A_120 = arith.constant 0 : i32
          %dma_wait3A_121 = tpu.memref_slice %arg3[%mul3A_2, %dma_wait3A_120] : memref<1024x26000xf32, #tpu.memory_space<hbm>> -> memref<1x26000xf32, #tpu.memory_space<hbm>>
          %dma_wait3A_122 = tpu.memref_squeeze %dma_wait3A_121 : memref<1x26000xf32, #tpu.memory_space<hbm>> -> memref<26000xf32, #tpu.memory_space<hbm>>
          tpu.wait_dma2 semaphore(%dma_wait3A_119 : memref<!tpu.dma_semaphore, #tpu.memory_space<semaphore_mem>>) src(%arg8 : memref<26000xf32, #tpu.memory_space<vmem>>) dst(%dma_wait3A_122 : memref<26000xf32, #tpu.memory_space<hbm>>)
          %sub3A = arith.constant 4 : i32
          %sub3A_123 = arith.subi %scan3A_65, %sub3A : i32
          %mul3A_124 = arith.constant 32 : i32
          %mul3A_125 = arith.muli %sub3A_123, %mul3A_124 : i32
          %get3A_126 = arith.index_cast %mul3A_125 : i32 to index
          %get3A_127 = tpu.vector_load %arg4[%get3A_126] {strides = array<i32>} : memref<1024xi32, #tpu.memory_space<vmem>>, vector<16xi32>,
          %mul3A_128 = arith.constant 32 : i32
          %mul3A_129 = arith.muli %sub3A_123, %mul3A_128 : i32
          %add3A_130 = arith.constant 16 : i32
          %add3A_131 = arith.addi %mul3A_129, %add3A_130 : i32
          %get3A_132 = arith.index_cast %add3A_131 : i32 to index
          %get3A_133 = tpu.vector_load %arg4[%get3A_132] {strides = array<i32>} : memref<1024xi32, #tpu.memory_space<vmem>>, vector<16xi32>,
          %add3A_134 = arith.addi %mul3A_12, %get3A_127 : vector<16xi32>
          tpu.vector_store_idx %arg8[%add3A_134], %broadcast_in_dim3A_9 : memref<26000xf32, #tpu.memory_space<vmem>>[vector<16xi32>], vector<16xf32>,
          %add3A_135 = arith.addi %mul3A_18, %get3A_133 : vector<16xi32>
          tpu.vector_store_idx %arg8[%add3A_135], %broadcast_in_dim3A_9 masked %lt3A_6 : memref<26000xf32, #tpu.memory_space<vmem>>[vector<16xi32>], vector<16xf32>, vector<16xi1>
        } else {
        }
        %mul3A_94 = arith.constant 32 : i32
        %mul3A_95 = arith.muli %scan3A_65, %mul3A_94 : i32
        %get3A = arith.index_cast %mul3A_95 : i32 to index
        %get3A_96 = tpu.vector_load %arg4[%get3A] {strides = array<i32>} : memref<1024xi32, #tpu.memory_space<vmem>>, vector<16xi32>,
        %mul3A_97 = arith.constant 32 : i32
        %mul3A_98 = arith.muli %scan3A_65, %mul3A_97 : i32
        %add3A_99 = arith.constant 16 : i32
        %add3A_100 = arith.addi %mul3A_98, %add3A_99 : i32
        %get3A_101 = arith.index_cast %add3A_100 : i32 to index
        %get3A_102 = tpu.vector_load %arg4[%get3A_101] {strides = array<i32>} : memref<1024xi32, #tpu.memory_space<vmem>>, vector<16xi32>,
        %add3A_103 = arith.addi %mul3A_12, %get3A_96 : vector<16xi32>
        tpu.vector_store_idx %arg8[%add3A_103], %broadcast_in_dim3A_7 : memref<26000xf32, #tpu.memory_space<vmem>>[vector<16xi32>], vector<16xf32>,
        %add3A_104 = arith.addi %mul3A_18, %get3A_102 : vector<16xi32>
        tpu.vector_store_idx %arg8[%add3A_104], %broadcast_in_dim3A_7 masked %lt3A_6 : memref<26000xf32, #tpu.memory_space<vmem>>[vector<16xi32>], vector<16xf32>, vector<16xi1>
        %add3A_105 = arith.addi %mul3A_2, %scan3A_65 : i32
        %dma_start3A = arith.constant 3 : i32
        %dma_start3A_106 = arith.constant 0 : i32
        %dma_start3A_107 = tpu.memref_slice %arg3[%add3A_105, %dma_start3A_106] : memref<1024x26000xf32, #tpu.memory_space<hbm>> -> memref<1x26000xf32, #tpu.memory_space<hbm>>
        %dma_start3A_108 = tpu.memref_squeeze %dma_start3A_107 : memref<1x26000xf32, #tpu.memory_space<hbm>> -> memref<26000xf32, #tpu.memory_space<hbm>>
        %dma_start3A_109 = tpu.memref_slice %arg9[%dma_start3A] : memref<4x!tpu.dma_semaphore, #tpu.memory_space<semaphore_mem>> -> memref<1x!tpu.dma_semaphore, #tpu.memory_space<semaphore_mem>>
        %dma_start3A_110 = tpu.memref_squeeze %dma_start3A_109 : memref<1x!tpu.dma_semaphore, #tpu.memory_space<semaphore_mem>> -> memref<!tpu.dma_semaphore, #tpu.memory_space<semaphore_mem>>
        %dma_start3A_111 = arith.constant 0 : i32
        %dma_start3A_112 = tpu.memref_slice %arg3[%add3A_105, %dma_start3A_111] : memref<1024x26000xf32, #tpu.memory_space<hbm>> -> memref<1x26000xf32, #tpu.memory_space<hbm>>
        %dma_start3A_113 = tpu.memref_squeeze %dma_start3A_112 : memref<1x26000xf32, #tpu.memory_space<hbm>> -> memref<26000xf32, #tpu.memory_space<hbm>>
        tpu.enqueue_dma source(%arg8 : memref<26000xf32, #tpu.memory_space<vmem>>) target(%dma_start3A_113 : memref<26000xf32, #tpu.memory_space<hbm>>) target_semaphore(%dma_start3A_110 : memref<!tpu.dma_semaphore, #tpu.memory_space<semaphore_mem>>)
      } else {
      }
    }
    %scan3A_29 = arith.constant 32 : i32
    %dma_wait3A = arith.constant 0 : i32
    %dma_wait3A_30 = arith.constant 0 : i32
    %dma_wait3A_31 = tpu.memref_slice %arg3[%mul3A_2, %dma_wait3A_30] : memref<1024x26000xf32, #tpu.memory_space<hbm>> -> memref<1x26000xf32, #tpu.memory_space<hbm>>
    %dma_wait3A_32 = tpu.memref_squeeze %dma_wait3A_31 : memref<1x26000xf32, #tpu.memory_space<hbm>> -> memref<26000xf32, #tpu.memory_space<hbm>>
    %dma_wait3A_33 = tpu.memref_slice %arg9[%dma_wait3A] : memref<4x!tpu.dma_semaphore, #tpu.memory_space<semaphore_mem>> -> memref<1x!tpu.dma_semaphore, #tpu.memory_space<semaphore_mem>>
    %dma_wait3A_34 = tpu.memref_squeeze %dma_wait3A_33 : memref<1x!tpu.dma_semaphore, #tpu.memory_space<semaphore_mem>> -> memref<!tpu.dma_semaphore, #tpu.memory_space<semaphore_mem>>
    %dma_wait3A_35 = arith.constant 0 : i32
    %dma_wait3A_36 = tpu.memref_slice %arg3[%mul3A_2, %dma_wait3A_35] : memref<1024x26000xf32, #tpu.memory_space<hbm>> -> memref<1x26000xf32, #tpu.memory_space<hbm>>
    %dma_wait3A_37 = tpu.memref_squeeze %dma_wait3A_36 : memref<1x26000xf32, #tpu.memory_space<hbm>> -> memref<26000xf32, #tpu.memory_space<hbm>>
    tpu.wait_dma2 semaphore(%dma_wait3A_34 : memref<!tpu.dma_semaphore, #tpu.memory_space<semaphore_mem>>) src(%arg5 : memref<26000xf32, #tpu.memory_space<vmem>>) dst(%dma_wait3A_37 : memref<26000xf32, #tpu.memory_space<hbm>>)
    %dma_wait3A_38 = arith.constant 1 : i32
    %dma_wait3A_39 = arith.constant 0 : i32
    %dma_wait3A_40 = tpu.memref_slice %arg3[%mul3A_2, %dma_wait3A_39] : memref<1024x26000xf32, #tpu.memory_space<hbm>> -> memref<1x26000xf32, #tpu.memory_space<hbm>>
    %dma_wait3A_41 = tpu.memref_squeeze %dma_wait3A_40 : memref<1x26000xf32, #tpu.memory_space<hbm>> -> memref<26000xf32, #tpu.memory_space<hbm>>
    %dma_wait3A_42 = tpu.memref_slice %arg9[%dma_wait3A_38] : memref<4x!tpu.dma_semaphore, #tpu.memory_space<semaphore_mem>> -> memref<1x!tpu.dma_semaphore, #tpu.memory_space<semaphore_mem>>
    %dma_wait3A_43 = tpu.memref_squeeze %dma_wait3A_42 : memref<1x!tpu.dma_semaphore, #tpu.memory_space<semaphore_mem>> -> memref<!tpu.dma_semaphore, #tpu.memory_space<semaphore_mem>>
    %dma_wait3A_44 = arith.constant 0 : i32
    %dma_wait3A_45 = tpu.memref_slice %arg3[%mul3A_2, %dma_wait3A_44] : memref<1024x26000xf32, #tpu.memory_space<hbm>> -> memref<1x26000xf32, #tpu.memory_space<hbm>>
    %dma_wait3A_46 = tpu.memref_squeeze %dma_wait3A_45 : memref<1x26000xf32, #tpu.memory_space<hbm>> -> memref<26000xf32, #tpu.memory_space<hbm>>
    tpu.wait_dma2 semaphore(%dma_wait3A_43 : memref<!tpu.dma_semaphore, #tpu.memory_space<semaphore_mem>>) src(%arg6 : memref<26000xf32, #tpu.memory_space<vmem>>) dst(%dma_wait3A_46 : memref<26000xf32, #tpu.memory_space<hbm>>)
    %dma_wait3A_47 = arith.constant 2 : i32
    %dma_wait3A_48 = arith.constant 0 : i32
    %dma_wait3A_49 = tpu.memref_slice %arg3[%mul3A_2, %dma_wait3A_48] : memref<1024x26000xf32, #tpu.memory_space<hbm>> -> memref<1x26000xf32, #tpu.memory_space<hbm>>
    %dma_wait3A_50 = tpu.memref_squeeze %dma_wait3A_49 : memref<1x26000xf32, #tpu.memory_space<hbm>> -> memref<26000xf32, #tpu.memory_space<hbm>>
    %dma_wait3A_51 = tpu.memref_slice %arg9[%dma_wait3A_47] : memref<4x!tpu.dma_semaphore, #tpu.memory_space<semaphore_mem>> -> memref<1x!tpu.dma_semaphore, #tpu.memory_space<semaphore_mem>>
    %dma_wait3A_52 = tpu.memref_squeeze %dma_wait3A_51 : memref<1x!tpu.dma_semaphore, #tpu.memory_space<semaphore_mem>> -> memref<!tpu.dma_semaphore, #tpu.memory_space<semaphore_mem>>
    %dma_wait3A_53 = arith.constant 0 : i32
    %dma_wait3A_54 = tpu.memref_slice %arg3[%mul3A_2, %dma_wait3A_53] : memref<1024x26000xf32, #tpu.memory_space<hbm>> -> memref<1x26000xf32, #tpu.memory_space<hbm>>
    %dma_wait3A_55 = tpu.memref_squeeze %dma_wait3A_54 : memref<1x26000xf32, #tpu.memory_space<hbm>> -> memref<26000xf32, #tpu.memory_space<hbm>>
    tpu.wait_dma2 semaphore(%dma_wait3A_52 : memref<!tpu.dma_semaphore, #tpu.memory_space<semaphore_mem>>) src(%arg7 : memref<26000xf32, #tpu.memory_space<vmem>>) dst(%dma_wait3A_55 : memref<26000xf32, #tpu.memory_space<hbm>>)
    %dma_wait3A_56 = arith.constant 3 : i32
    %dma_wait3A_57 = arith.constant 0 : i32
    %dma_wait3A_58 = tpu.memref_slice %arg3[%mul3A_2, %dma_wait3A_57] : memref<1024x26000xf32, #tpu.memory_space<hbm>> -> memref<1x26000xf32, #tpu.memory_space<hbm>>
    %dma_wait3A_59 = tpu.memref_squeeze %dma_wait3A_58 : memref<1x26000xf32, #tpu.memory_space<hbm>> -> memref<26000xf32, #tpu.memory_space<hbm>>
    %dma_wait3A_60 = tpu.memref_slice %arg9[%dma_wait3A_56] : memref<4x!tpu.dma_semaphore, #tpu.memory_space<semaphore_mem>> -> memref<1x!tpu.dma_semaphore, #tpu.memory_space<semaphore_mem>>
    %dma_wait3A_61 = tpu.memref_squeeze %dma_wait3A_60 : memref<1x!tpu.dma_semaphore, #tpu.memory_space<semaphore_mem>> -> memref<!tpu.dma_semaphore, #tpu.memory_space<semaphore_mem>>
    %dma_wait3A_62 = arith.constant 0 : i32
    %dma_wait3A_63 = tpu.memref_slice %arg3[%mul3A_2, %dma_wait3A_62] : memref<1024x26000xf32, #tpu.memory_space<hbm>> -> memref<1x26000xf32, #tpu.memory_space<hbm>>
    %dma_wait3A_64 = tpu.memref_squeeze %dma_wait3A_63 : memref<1x26000xf32, #tpu.memory_space<hbm>> -> memref<26000xf32, #tpu.memory_space<hbm>>
    tpu.wait_dma2 semaphore(%dma_wait3A_61 : memref<!tpu.dma_semaphore, #tpu.memory_space<semaphore_mem>>) src(%arg8 : memref<26000xf32, #tpu.memory_space<vmem>>) dst(%dma_wait3A_64 : memref<26000xf32, #tpu.memory_space<hbm>>)
    return
  }
}

</mosaic_0001>

<sc_bundles>
// kernel: kernel.3.cloned.1.call-start
scs
__scs_entry_jumppad:
0x0: {  	(pc) =	sbr.rel $0x88, $3  }
0x1: {  	(tag) =	ssettag $0x0;
	lr =	simm.s32 $0x1  }
0x2: {  	[smem:$0x3FA0] =	sst lr;
	_ =	strace $0xD0000000  }
0x3: {  	_ = 	snop  }
0x4: {  	_ = 	snop  }
0x5: {  	_ = 	snop  }
0x6: {  	_ = 	snop  }
0x7: {  	_ = 	snop  }
__scs_overlays_trampoline_lowered:
0x8: {  	[smem:$0x3FAF] =	sst s0  }
0x9: {  	[smem:$0x3FB0] =	sst s1  }
0xa: {  	[smem:$0x3FB1] =	sst s2  }
0xb: {  	[smem:$0x3FB2] =	sst s3  }
0xc: {  	[smem:$0x3FB3] =	sst s4  }
0xd: {  	[smem:$0x3FB4] =	sst s5  }
0xe: {  	[smem:$0x3FB5] =	sst s6  }
0xf: {  	[smem:$0x3FB6] =	sst s7  }
0x10: {  	[smem:$0x3FB7] =	sst s8  }
0x11: {  	[smem:$0x3FB8] =	sst s9;
	s0 =	simm.s32 @!p0 $0x0  }
0x12: {  	s1 =	sld [smem:$0x3F9E];
	s0 =	simm.s32 @p0 $0x1  }
0x13: {  	[smem:$0x3FB9] =	sst s0;
	s0 =	simm.s32 @!p1 $0x0  }
0x14: {  	s2 =	sld [smem:$0x3F9D];
	s0 =	simm.s32 @p1 $0x1  }
0x15: {  	[smem:$0x3FBA] =	sst s0;
	s0 =	simm.s32 @!p2 $0x0  }
0x16: {  	s3 =	sld [smem:$0x3FDB];
	s0 =	simm.s32 @p2 $0x1  }
0x17: {  	s4 =	simm.s32 $0x1BF5;
	[smem:$0x3FBC] =	sst s0  }
0x18: {  	s0 =	sld [smem:$0x3F9F];
	_ =	swait.ge [sflag:s4], $0x0  }
0x19: {  	s7 =	sld [smem:$0x3FA0]  }
0x1a: {  	s8 =	sadd.s32 $0xFFFFE003, lr  }
0x1b: {  	s9 =	sadd.s32 $0xFFFFFEF7, lr;
	s5 =	simm.s32 $0xFFFFFFFF;
	p2 =	slt.u32 s8, $0xFFFFF086  }
0x1c: {  	p1 =	slt.u32 s9, $0xF7A;
	s5 =	simm.s32 @!p2 $0x0  }
0x1d: {  	s5 =	simm.s32 @p1 $0x1;
	p0 =	seq.s32 s7, s2  }
0x1e: {  	s7 =	smul.u32 @!p0 $0xF7A, s2;
	p2 =	seq.s32 @!p0 s5, $0x0  }
0x1f: {  	s9 =	smul.u32 $0xF7A, s1;
	s8 =	simm.s32 @!p0 $0x1BF5;
	p2 =	por !p2, p0  }
0x20: {  	[sflag:s8] =	ssyncset.s32 @!p0 $0xFFFFF086;
	s6 =	sadd.s32 @!p0 s3, s7;
	s7 =	simm.s32 @!p0 $0x108  }
0x21: {  	s3 =	sadd.s32 s3, s9;
	s6 =	sadd.s32 @!p0 $0x88, s6;
	s7 =	simm.s32 @p2 $0x1082  }
0x22: {  	[simem:s7], [sflag:s8] =	dma.local @!p0 [hbm:s6], $0xF7A  }
0x23: {  	s9 =	sor.u32 $0xD0000000, s2;
	s6 =	simm.s32 $0x108;
	_ =	swait.ge @!p0 [sflag:s8], $0x0  }
0x24: {  	s3 =	sadd.s32 $0x88, s3;
	s6 =	simm.s32 @!p1 $0x1082;
	[sflag:s4] =	ssyncset.s32 $0xFFFFF086  }
0x25: {  	[simem:s6], [sflag:s4] =	dma.local [hbm:s3], $0xF7A  }
0x26: {  	[smem:$0x3FA0] =	sst s1;
	(tag) =	ssettag s2;
	_ =	strace s9  }
0x27: {  	s1 =	sld [smem:$0x3FB0]  }
0x28: {  	s2 =	sld [smem:$0x3FB1]  }
0x29: {  	s4 =	sld [smem:$0x3FB3]  }
0x2a: {  	p0 =	seq.s32 s5, $0x0;
	s5 =	sld [smem:$0x3FB4]  }
0x2b: {  	s6 =	sld [smem:$0x3FB5]  }
0x2c: {  	s7 =	sld [smem:$0x3FB6]  }
0x2d: {  	s3 =	simm.s32 $0x108;
	s8 =	sld [smem:$0x3FB7]  }
0x2e: {  	s3 =	simm.s32 @!p0 $0x1082;
	s9 =	sld [smem:$0x3FB8]  }
0x2f: {  	lr =	sadd.s32 s0, s3;
	s0 =	sld [smem:$0x3FAF]  }
0x30: {  	s3 =	sld [smem:$0x3FB2]  }
0x31: {  	[smem:$0x3FBB] =	sst s10  }
0x32: {  	s10 =	sld [smem:$0x3FB9];
	_ =	sdelay $0x3  }
0x33: {  	p0 =	seq.s32 s10, $0x1;
	s10 =	sld [smem:$0x3FBB];
	_ =	sdelay $0x3  }
0x34: {  	[smem:$0x3FBB] =	sst s10  }
0x35: {  	s10 =	sld [smem:$0x3FBA];
	_ =	sdelay $0x3  }
0x36: {  	p1 =	seq.s32 s10, $0x1;
	s10 =	sld [smem:$0x3FBB];
	_ =	sdelay $0x3  }
0x37: {  	[smem:$0x3FBB] =	sst s10  }
0x38: {  	s10 =	sld [smem:$0x3FBC]  }
0x39: {  	_ = 	snop;
	(pc) =	sbr.ind lr, $3  }
0x3a: {  	_ = 	snop  }
0x3b: {  	_ = 	snop  }
0x3c: {  	p2 =	seq.s32 s10, $0x1;
	s10 =	sld [smem:$0x3FBB]  }
0x3d: {  	_ =	shalt  }
0x3e: {  	_ =	shalt  }
0x3f: {  	_ =	shalt  }
0x40: {  	_ =	shalt  }
0x41: {  	_ =	shalt  }
0x42: {  	_ =	shalt  }
0x43: {  	_ =	shalt  }
0x44: {  	_ =	shalt  }
0x45: {  	_ =	shalt  }
0x46: {  	_ =	shalt  }
0x47: {  	_ =	shalt  }
0x48: {  	_ =	shalt  }
0x49: {  	_ =	shalt  }
0x4a: {  	_ =	shalt  }
0x4b: {  	_ =	shalt  }
0x4c: {  	_ =	shalt  }
0x4d: {  	_ =	shalt  }
0x4e: {  	_ =	shalt  }
0x4f: {  	_ =	shalt  }
0x50: {  	_ =	shalt  }
0x51: {  	_ =	shalt  }
0x52: {  	_ =	shalt  }
0x53: {  	_ =	shalt  }
0x54: {  	_ =	shalt  }
0x55: {  	_ =	shalt  }
0x56: {  	_ =	shalt  }
0x57: {  	_ =	shalt  }
0x58: {  	_ =	shalt  }
0x59: {  	_ =	shalt  }
0x5a: {  	_ =	shalt  }
0x5b: {  	_ =	shalt  }
0x5c: {  	_ =	shalt  }
0x5d: {  	_ =	shalt  }
0x5e: {  	_ =	shalt  }
0x5f: {  	_ =	shalt  }
0x60: {  	_ =	shalt  }
0x61: {  	_ =	shalt  }
0x62: {  	_ =	shalt  }
0x63: {  	_ =	shalt  }
0x64: {  	_ =	shalt  }
0x65: {  	_ =	shalt  }
0x66: {  	_ =	shalt  }
0x67: {  	_ =	shalt  }
0x68: {  	_ =	shalt  }
0x69: {  	_ =	shalt  }
0x6a: {  	_ =	shalt  }
0x6b: {  	_ =	shalt  }
0x6c: {  	_ =	shalt  }
0x6d: {  	_ =	shalt  }
0x6e: {  	_ =	shalt  }
0x6f: {  	_ =	shalt  }
0x70: {  	_ =	shalt  }
0x71: {  	_ =	shalt  }
0x72: {  	_ =	shalt  }
0x73: {  	_ =	shalt  }
0x74: {  	_ =	shalt  }
0x75: {  	_ =	shalt  }
0x76: {  	_ =	shalt  }
0x77: {  	_ =	shalt  }
0x78: {  	_ =	shalt  }
0x79: {  	_ =	shalt  }
0x7a: {  	_ =	shalt  }
0x7b: {  	_ =	shalt  }
0x7c: {  	_ =	shalt  }
0x7d: {  	_ =	shalt  }
0x7e: {  	_ =	shalt  }
0x7f: {  	_ =	shalt  }
0x80: {  	_ =	shalt  }
0x81: {  	_ =	shalt  }
0x82: {  	_ =	shalt  }
0x83: {  	_ =	shalt  }
0x84: {  	_ =	shalt  }
0x85: {  	_ =	shalt  }
0x86: {  	_ =	shalt  }
0x87: {  	_ =	shalt  }
.Lfunc_end0:
.L_simem_size_0:
called_computation_lowered:
.L_overlay_start_0:
0x88: {  	s2 =	sld [smem:$0x3FD9]  }
0x89: {  	s3 =	sld [smem:$0x3FFE];
	_ =	sdelay $0x1  }
0x8a: {  	s1 =	srdreg.scid  }
0x8b: {  	s0 =	sand.u32 $0x1, s1  }
0x8c: {  	s17 =	sshll.u32 s0, $0xA;
	s2 =	sadd.s32 s3, s2  }
0x8d: {  	s2 =	sadd.s32 s2, s17  }
0x8e: {  	[smem:$0x3FC7] =	sst s2  }
0x8f: {  	_ = 	snop  }
0x90: {  	s2 =	sld [smem:$0x3FD0];
	(tm) =	ssettm $0x1  }
0x91: {  	s18 =	sld [smem:$0x3FFB];
	_ =	sdelay $0x3  }
0x92: {  	_ =	strace s18  }
0x93: {  	s3 =	sld [smem:$0x3FFC];
	_ =	sdelay $0x3  }
0x94: {  	_ =	strace s3  }
0x95: {  	s3 =	sld [smem:$0x3FFD];
	_ =	sdelay $0x3  }
0x96: {  	_ =	strace s3  }
0x97: {  	_ =	strace $0x8FFFFFFF  }
0x98: {  	s19 =	sld [smem:$0x3FDB];
	_ =	sdelay $0x1  }
0x99: {  	s4 =	simm.s32 $_scs_section_size  }
0x9a: {  	s5 =	simm.s32 $_size__tile_overlayer_lowered;
	s6 =	simm.s32 $_tile_overlayer_lowered  }
0x9b: {  	s22 =	simm.s32 $0x1BFF;
	s21 =	sshll.u32 s6, $0x1;
	s3 =	sadd.s32 s4, s19  }
0x9c: {  	s7 =	simm.s32 $0x0;
	s20 =	sshll.u32 s5, $0x1;
	s5 =	sadd.s32 s21, s3  }
0x9d: {  	[timem:s7], [sflag:s22] =	dma.local [hbm:s5], s20  }
0x9e: {  	_ =	swait.ge [sflag:s22], s20  }
0x9f: {  	s4 =	ssub.s32 $0x0, s20;
	[sflag:s22] =	ssyncset.done $0x0  }
0xa0: {  	[sflag:s22] =	ssyncadd.s32 s4;
	_ =	sdelay $0x1  }
0xa1: {  	s23 =	simm.s32 $0x1B8B  }
0xa2: {  	_ =	swait.ge [sflag:s23], $0x1  }
0xa3: {  	[sflag:s23] =	ssyncset.done $0x0  }
0xa4: {  	s25 =	simm.s32 $0x1B8E;
	s24 =	sld [smem:$0x3FFE];
	[sflag:s23] =	ssyncadd.s32 $0xFFFFFFFF  }
0xa5: {  	s26 =	simm.s32 $execute0_lowered;
	[smem:$0x3FD2] =	sst s25  }
0xa6: {  	s5 =	sshll.u32 s26, $0x1;
	_ =	strace $0x80000046;
	[dreg:$0x1] =	wrdreg $0xFFFFFFFF  }
0xa7: {  	s28 =	simm.s32 $_size_execute0_lowered;
	s3 =	sadd.s32 s3, s5;
	[dreg:$0x0] =	wrdreg $0x0  }
0xa8: {  	s5 =	sshll.u32 s28, $0x1;
	[dreg:$0x2] =	wrdreg s3  }
0xa9: {  	[dreg:$0x3] =	wrdreg s5  }
0xaa: {  	[dreg:$0x4] =	wrdreg $0xC0  }
0xab: {  	_ =	task [dreg:s7], $0x5FFFF  }
0xac: {  	[dreg:$0x1] =	wrdreg $0xFFFFFFFF  }
0xad: {  	[dreg:$0x0] =	wrdreg $0x60  }
0xae: {  	[dreg:$0x2] =	wrdreg s2  }
0xaf: {  	[dreg:$0x3] =	wrdreg s24  }
0xb0: {  	[dreg:$0x4] =	wrdreg $0x9  }
0xb1: {  	_ =	task.clear_ibuf [dreg:s7], $0x5FFFF;
	_ =	strace $0x90000046  }
0xb2: {  	s29 =	simm.s32 $0x9;
	_ =	strace $0x80000048  }
0xb3: {  	_ =	swait.ge [sflag:s29], $0x1  }
0xb4: {  	[sflag:s29] =	ssyncadd.s32 $0xFFFFFFFF  }
0xb5: {  	_ =	strace $0x90000048  }
0xb6: {  	_ =	sfence  }
0xb7: {  	s30 =	sld [smem:$0x0];
	_ =	sdelay $0x2  }
0xb8: {  	s31 =	sshll.u32 s1, $0xD;
	s1 =	sshrl.u32 s1, $0x2  }
0xb9: {  	s3 =	sand.u32 $0x4000, s31;
	s1 =	sadd.s32 s1, s30  }
0xba: {  	s0 =	sor.u32 s3, s0;
	s1 =	sshll.u32 s1, $0x11  }
0xbb: {  	s0 =	sor.u32 s1, s0  }
0xbc: {  	s0 =	sadd.s32 $0x8F2B, s0  }
0xbd: {  	[sflag:s0] =	ssyncadd.remote.s32 $0x1  }
0xbe: {  	_ =	sfence.sel $0xFFFF  }
0xbf: {  	[dreg:$0x0] =	wrdreg $0xFFFFFFFF;
	(pc) =	sbr.abs _section_cstart, $3  }
0xc0: {  	[dreg:$0x1] =	wrdreg $0xFFFFFFFF  }
0xc1: {  	_ =	task.clear_ibuf [dreg:s7], $0x2FFFF;
	_ =	strace $0x9FFFFFFF  }
0xc2: {  	(tm) =	ssettm $0x7FFFFFFF  }
0xc3: {  	_ =	shalt  }
tec
execute0_lowered:
.L_overlay_start_1:
0x0: {  	(tag) =	ssettag $0x1  }
0x1: {  	s4 =	rddreg [dreg:$0x0]  }
0x2: {  	s2 =	rddreg [dreg:$0x1]  }
0x3: {  	s0 =	rddreg [dreg:$0x2];
	s1 =	simm.s32 $0x0  }
0x4: {  	s3 =	srdreg.scid;
	s10 =	simm.s32 $0x3;
	s11 =	simm.s32 $0x4  }
0x5: {  	s12 =	simm.s32 $0x0;
	[smem:$0x7FF] =	sst s1;
	s5 =	sand.u32 $0x1, s3  }
0x6: {  	s3 =	sadd.s32 $0x400, s2;
	s2 =	stileid.u32;
	_ =	strace $0x80000047  }
.Ltmp0:
0x7: {  	s6 =	ssub.s32 $0x2, s5;
	s30 =	sshll.u32 s2, $0x8;
	(pc) =	sbr.rel .LBB2_1-.Ltmp0, $4  }
0x8: {  	s8 =	sshll.u32 s5, $0x7;
	s31 =	sshll.u32 s2, $0x6;
	s7 =	sshrl.u32 s6, $0x1  }
0x9: {  	s9 =	sshll.u32 s5, $0x5;
	s6 =	ssub.s32 s6, s7;
	s7 =	sor.u32 s8, s30  }
0xa: {  	s8 =	simm.s32 $0x1;
	s4 =	sadd.s32 s4, s7;
	s5 =	smax.u32 s6, $0x1  }
0xb: {  	v0 =	vimm.f32 $0.0e+00;
	s6 =	sor.u32 s9, s31;
	s7 =	simm.s32 $0x5;
	s9 =	simm.s32 $0x2  }
.LBB2_8:
0xc: {  	_ =	swait.ge [sflag:s8], $0x6600  }
0xd: {  	[sflag:s8] =	ssyncset.done $0x0  }
0xe: {  	[sflag:s8] =	ssyncadd.s32 $0xFFFF9A00  }
0xf: {  	_ =	swait.ge [sflag:s9], $0x6600  }
0x10: {  	[sflag:s9] =	ssyncset.done $0x0  }
0x11: {  	s12 =	sadd.s32 $0x1, s12;
	[sflag:s9] =	ssyncadd.s32 $0xFFFF9A00  }
0x12: {  	p0 =	sne.s32 s12, s5;
	_ =	swait.ge [sflag:s10], $0x6600  }
.Ltmp1:
0x13: {  	[sflag:s10] =	ssyncset.done $0x0;
	(pc) =	sbr.rel @!p0 .LBB2_9-.Ltmp1, $4  }
0x14: {  	[sflag:s10] =	ssyncadd.s32 $0xFFFF9A00  }
0x15: {  	_ =	swait.ge [sflag:s11], $0x6600  }
0x16: {  	[sflag:s11] =	ssyncset.done $0x0  }
0x17: {  	[sflag:s11] =	ssyncadd.s32 $0xFFFF9A00  }
.LBB2_1:
0x18: {  	[tilespmem:s1], [sflag:$0x5] =	stream.linear.gather [hbm4b:s4+s1], $0x400, $0x38;
	[tilespmem:$0x19C00] =	vst v63  }
0x19: {  	_ =	swait.ge [sflag:s7], $0x400  }
0x1a: {  	[sflag:s7] =	ssyncset.done $0x0  }
0x1b: {  	s13 =	simm.s32 $0x0;
	[sflag:s7] =	ssyncadd.s32 $0xFFFFFC00  }
.LBB2_2:
0x1c: {  	p0 =	sne.s32 s13, $0x19600  }
.Ltmp2:
0x1d: {  	s14 =	sshra.s32 s13, $0x2;
	(pc) =	sbr.rel @p0 .LBB2_2-.Ltmp2, $4  }
0x1e: {  	[tilespmem:s14+$0x400] =	vst v0  }
0x1f: {  	[tilespmem:s14+$0x6A00] =	vst v0  }
0x20: {  	[tilespmem:s14+$0xD000] =	vst v0  }
0x21: {  	s13 =	sadd.s32 $0x40, s13;
	[tilespmem:s14+$0x13600] =	vst v0  }
.Ltmp3:
0x22: {  	(pc) =	sbr.rel .LBB2_4-.Ltmp3, $2  }
0x23: {  	_ =	sdelay $0x2  }
0x24: {  	s13 =	simm.s32 $0x0;
	s14 =	simm.s32 $0x0;
	s15 =	simm.s32 $0x0  }
.LBB2_6:
0x25: {  	p0 =	seq.s32 s16, $0x2  }
0x26: {  	p1 =	slt.u32 @p0 s15, $0x4  }
0x27: {  	p1 =	por p1, !p0  }
0x28: {  	s16 =	simm.s32 @!p1 $0x3  }
0x29: {  	_ =	swait.ge @!p1 [sflag:s16], $0x6600  }
0x2a: {  	[sflag:s16] =	ssyncset.done @!p1 $0x0  }
0x2b: {  	[sflag:s16] =	ssyncadd.s32 @!p1 $0xFFFF9A00;
	s16 =	sand.u32 @!p1 $0x3E0, s13  }
0x2c: {  	v1 =	vld @!p1 [tilespmem:s16+$0xFFFFFF80];
	s16 =	sshra.s32 @!p1 s14, $0x2  }
0x2d: {  	v2 =	vld @!p1 [tilespmem:s16+$0xFFFFFF90]  }
0x2e: {  	v3 =	vlaneseq.u32 @!p1  }
0x2f: {  	v3 =	vmul.u32 @!p1 $0x3E8, v3;
	_ =	sdelay $0x1  }
0x30: {  	v1 =	vadd.s32 @!p1 v3, v1;
	v3 =	vadd.s32 @!p1 $0x3E80, v3  }
0x31: {  	v2 =	vadd.s32 @!p1 v3, v2;
	_ =	sdelay $0x2  }
0x32: {  	s16 =	simm.s32 @!p1 $0xD000;
	v3 =	vimm.f32 @!p1 $0.0e+00  }
0x33: {  	[tilespmem:v1+s16+$0x0] =	vst.idx.msk @!p1 $0xffff, v3  }
0x34: {  	[tilespmem:v2+s16+$0x0] =	vst.idx.msk @!p1 $0x3ff, v3;
	s16 =	sshra.s32 @p0 s14, $0x2  }
0x35: {  	v1 =	vld @p0 [tilespmem:s16+$0x0]  }
0x36: {  	v2 =	vld @p0 [tilespmem:s16+$0x10]  }
0x37: {  	v3 =	vlaneseq.u32 @p0  }
0x38: {  	v3 =	vmul.u32 @p0 $0x3E8, v3;
	_ =	sdelay $0x1  }
0x39: {  	s16 =	sadd.s32 @p0 s15, s6;
	v1 =	vadd.s32 @p0 v3, v1;
	v3 =	vadd.s32 @p0 $0x3E80, v3  }
0x3a: {  	s16 =	sshrl.u32 @p0 s16, $0x3;
	v2 =	vadd.s32 @p0 v3, v2  }
0x3b: {  	s16 =	smul.u32 @p0 $0x33000, s16  }
0x3c: {  	s17 =	sand.u32 @p0 $0x380, s14  }
0x3d: {  	s18 =	simm.s32 @p0 $0xD000;
	s16 =	sor.u32 @p0 s17, s16;
	v3 =	vimm.f32 @p0 $1.000000000e+00  }
0x3e: {  	s19 =	simm.s32 @p0 $0x400;
	p1 =	slt.u32 @!p0 s15, $0x4;
	s16 =	sshrl.u32 @p0 s16, $0x3;
	[tilespmem:v1+s18+$0x0] =	vst.idx.msk @p0 $0xffff, v3  }
0x3f: {  	p1 =	por p1, p0;
	s17 =	simm.s32 @p0 $0x80;
	s16 =	sadd.s32 @p0 s3, s16;
	[tilespmem:v2+s18+$0x0] =	vst.idx.msk @p0 $0x3ff, v3  }
0x40: {  	[hbm4b:s16+s17] =	stream.strided.scatter @p0 [tilespmem:s18], [sflag:$0x3], $0x6600, s19, s17, $0x38;
	[tilespmem:$0x19C00] =	vst v63  }
0x41: {  	s16 =	simm.s32 @!p1 $0x4  }
0x42: {  	_ =	swait.ge @!p1 [sflag:s16], $0x6600  }
0x43: {  	[sflag:s16] =	ssyncset.done @!p1 $0x0  }
0x44: {  	[sflag:s16] =	ssyncadd.s32 @!p1 $0xFFFF9A00;
	s16 =	sand.u32 @!p1 $0x3E0, s13  }
0x45: {  	v1 =	vld @!p1 [tilespmem:s16+$0xFFFFFF80];
	s16 =	sshra.s32 @!p1 s14, $0x2  }
0x46: {  	v2 =	vld @!p1 [tilespmem:s16+$0xFFFFFF90]  }
0x47: {  	v3 =	vlaneseq.u32 @!p1  }
0x48: {  	v3 =	vmul.u32 @!p1 $0x3E8, v3;
	_ =	sdelay $0x1  }
0x49: {  	v1 =	vadd.s32 @!p1 v3, v1;
	v3 =	vadd.s32 @!p1 $0x3E80, v3  }
0x4a: {  	v2 =	vadd.s32 @!p1 v3, v2;
	_ =	sdelay $0x2  }
0x4b: {  	s16 =	simm.s32 @!p1 $0x13600;
	v3 =	vimm.f32 @!p1 $0.0e+00  }
0x4c: {  	[tilespmem:v1+s16+$0x0] =	vst.idx.msk @!p1 $0xffff, v3  }
0x4d: {  	[tilespmem:v2+s16+$0x0] =	vst.idx.msk @!p1 $0x3ff, v3;
	s16 =	sshra.s32 @!p0 s14, $0x2  }
0x4e: {  	v1 =	vld @!p0 [tilespmem:s16+$0x0]  }
0x4f: {  	v2 =	vld @!p0 [tilespmem:s16+$0x10]  }
0x50: {  	v3 =	vlaneseq.u32 @!p0  }
0x51: {  	v3 =	vmul.u32 @!p0 $0x3E8, v3;
	_ =	sdelay $0x1  }
0x52: {  	s16 =	sadd.s32 @!p0 s15, s6;
	v1 =	vadd.s32 @!p0 v3, v1;
	v3 =	vadd.s32 @!p0 $0x3E80, v3  }
0x53: {  	s16 =	sshrl.u32 @!p0 s16, $0x3;
	v2 =	vadd.s32 @!p0 v3, v2  }
0x54: {  	s16 =	smul.u32 @!p0 $0x33000, s16  }
0x55: {  	s17 =	sand.u32 @!p0 $0x380, s14  }
0x56: {  	s18 =	simm.s32 @!p0 $0x13600;
	s16 =	sor.u32 @!p0 s17, s16;
	v3 =	vimm.f32 @!p0 $1.000000000e+00  }
0x57: {  	s16 =	sshrl.u32 @!p0 s16, $0x3;
	[tilespmem:v1+s18+$0x0] =	vst.idx.msk @!p0 $0xffff, v3  }
0x58: {  	s19 =	simm.s32 @!p0 $0x400;
	s17 =	simm.s32 @!p0 $0x80;
	s16 =	sadd.s32 @!p0 s3, s16;
	[tilespmem:v2+s18+$0x0] =	vst.idx.msk @!p0 $0x3ff, v3  }
0x59: {  	[hbm4b:s16+s17] =	stream.strided.scatter @!p0 [tilespmem:s18], [sflag:$0x4], $0x6600, s19, s17, $0x38;
	[tilespmem:$0x19C00] =	vst v63  }
.LBB2_7:
0x5a: {  	s15 =	sadd.s32 $0x1, s15  }
0x5b: {  	p0 =	sne.s32 s15, $0x20  }
.Ltmp4:
0x5c: {  	_ = 	snop;
	(pc) =	sbr.rel @!p0 .LBB2_8-.Ltmp4, $2  }
0x5d: {  	_ =	sdelay $0x2  }
0x5e: {  	s14 =	sadd.s32 $0x80, s14;
	s13 =	sadd.s32 $0x20, s13  }
.LBB2_4:
0x5f: {  	s16 =	sand.u32 $0x3, s15  }
0x60: {  	p0 =	sgt.s32 s16, $0x1  }
.Ltmp5:
0x61: {  	_ = 	snop;
	(pc) =	sbr.rel @p0 .LBB2_6-.Ltmp5, $1  }
0x62: {  	_ =	sdelay $0x3  }
0x63: {  	p0 =	seq.s32 s16, $0x0  }
0x64: {  	p1 =	slt.u32 @p0 s15, $0x4  }
0x65: {  	p1 =	por p1, !p0  }
0x66: {  	s16 =	simm.s32 @!p1 $0x1  }
0x67: {  	_ =	swait.ge @!p1 [sflag:s16], $0x6600  }
0x68: {  	[sflag:s16] =	ssyncset.done @!p1 $0x0  }
0x69: {  	[sflag:s16] =	ssyncadd.s32 @!p1 $0xFFFF9A00;
	s16 =	sand.u32 @!p1 $0x3E0, s13  }
0x6a: {  	v1 =	vld @!p1 [tilespmem:s16+$0xFFFFFF80];
	s16 =	sshra.s32 @!p1 s14, $0x2  }
0x6b: {  	v2 =	vld @!p1 [tilespmem:s16+$0xFFFFFF90]  }
0x6c: {  	v3 =	vlaneseq.u32 @!p1  }
0x6d: {  	v3 =	vmul.u32 @!p1 $0x3E8, v3;
	_ =	sdelay $0x1  }
0x6e: {  	v1 =	vadd.s32 @!p1 v3, v1;
	v3 =	vadd.s32 @!p1 $0x3E80, v3  }
0x6f: {  	v2 =	vadd.s32 @!p1 v3, v2;
	_ =	sdelay $0x2  }
0x70: {  	s16 =	simm.s32 @!p1 $0x400;
	v3 =	vimm.f32 @!p1 $0.0e+00  }
0x71: {  	[tilespmem:v1+s16+$0x0] =	vst.idx.msk @!p1 $0xffff, v3  }
0x72: {  	[tilespmem:v2+s16+$0x0] =	vst.idx.msk @!p1 $0x3ff, v3;
	s16 =	sshra.s32 @p0 s14, $0x2  }
0x73: {  	v1 =	vld @p0 [tilespmem:s16+$0x0]  }
0x74: {  	v2 =	vld @p0 [tilespmem:s16+$0x10]  }
0x75: {  	v3 =	vlaneseq.u32 @p0  }
0x76: {  	v3 =	vmul.u32 @p0 $0x3E8, v3;
	_ =	sdelay $0x1  }
0x77: {  	s16 =	sadd.s32 @p0 s15, s6;
	v1 =	vadd.s32 @p0 v3, v1;
	v3 =	vadd.s32 @p0 $0x3E80, v3  }
0x78: {  	s16 =	sshrl.u32 @p0 s16, $0x3;
	v2 =	vadd.s32 @p0 v3, v2  }
0x79: {  	s16 =	smul.u32 @p0 $0x33000, s16  }
0x7a: {  	s17 =	sand.u32 @p0 $0x380, s14  }
0x7b: {  	s18 =	simm.s32 @p0 $0x400;
	s16 =	sor.u32 @p0 s17, s16;
	v3 =	vimm.f32 @p0 $1.000000000e+00  }
0x7c: {  	p1 =	slt.u32 @!p0 s15, $0x4;
	s16 =	sshrl.u32 @p0 s16, $0x3;
	[tilespmem:v1+s18+$0x0] =	vst.idx.msk @p0 $0xffff, v3  }
0x7d: {  	p1 =	por p1, p0;
	s17 =	simm.s32 @p0 $0x80;
	s16 =	sadd.s32 @p0 s3, s16;
	[tilespmem:v2+s18+$0x0] =	vst.idx.msk @p0 $0x3ff, v3  }
0x7e: {  	[hbm4b:s16+s17] =	stream.strided.scatter @p0 [tilespmem:s18], [sflag:$0x1], $0x6600, s18, s17, $0x38;
	[tilespmem:$0x19C00] =	vst v63  }
0x7f: {  	s16 =	simm.s32 @!p1 $0x2  }
0x80: {  	_ =	swait.ge @!p1 [sflag:s16], $0x6600  }
0x81: {  	[sflag:s16] =	ssyncset.done @!p1 $0x0  }
0x82: {  	[sflag:s16] =	ssyncadd.s32 @!p1 $0xFFFF9A00;
	s16 =	sand.u32 @!p1 $0x3E0, s13  }
0x83: {  	v1 =	vld @!p1 [tilespmem:s16+$0xFFFFFF80];
	s16 =	sshra.s32 @!p1 s14, $0x2  }
0x84: {  	v2 =	vld @!p1 [tilespmem:s16+$0xFFFFFF90]  }
0x85: {  	v3 =	vlaneseq.u32 @!p1  }
0x86: {  	v3 =	vmul.u32 @!p1 $0x3E8, v3;
	_ =	sdelay $0x1  }
0x87: {  	v1 =	vadd.s32 @!p1 v3, v1;
	v3 =	vadd.s32 @!p1 $0x3E80, v3  }
0x88: {  	v2 =	vadd.s32 @!p1 v3, v2;
	_ =	sdelay $0x2  }
0x89: {  	s16 =	simm.s32 @!p1 $0x6A00;
	v3 =	vimm.f32 @!p1 $0.0e+00  }
0x8a: {  	[tilespmem:v1+s16+$0x0] =	vst.idx.msk @!p1 $0xffff, v3  }
0x8b: {  	[tilespmem:v2+s16+$0x0] =	vst.idx.msk @!p1 $0x3ff, v3;
	s16 =	sshra.s32 @!p0 s14, $0x2  }
0x8c: {  	v1 =	vld @!p0 [tilespmem:s16+$0x0]  }
0x8d: {  	v2 =	vld @!p0 [tilespmem:s16+$0x10]  }
0x8e: {  	v3 =	vlaneseq.u32 @!p0  }
0x8f: {  	v3 =	vmul.u32 @!p0 $0x3E8, v3;
	_ =	sdelay $0x1  }
0x90: {  	s16 =	sadd.s32 @!p0 s15, s6;
	v1 =	vadd.s32 @!p0 v3, v1;
	v3 =	vadd.s32 @!p0 $0x3E80, v3  }
0x91: {  	s16 =	sshrl.u32 @!p0 s16, $0x3;
	v2 =	vadd.s32 @!p0 v3, v2  }
0x92: {  	s16 =	smul.u32 @!p0 $0x33000, s16  }
.Ltmp6:
0x93: {  	s17 =	sand.u32 @!p0 $0x380, s14;
	(pc) =	sbr.rel .LBB2_7-.Ltmp6, $4  }
0x94: {  	s18 =	simm.s32 @!p0 $0x6A00;
	s16 =	sor.u32 @!p0 s17, s16;
	v3 =	vimm.f32 @!p0 $1.000000000e+00  }
0x95: {  	s16 =	sshrl.u32 @!p0 s16, $0x3;
	[tilespmem:v1+s18+$0x0] =	vst.idx.msk @!p0 $0xffff, v3  }
0x96: {  	s19 =	simm.s32 @!p0 $0x400;
	s17 =	simm.s32 @!p0 $0x80;
	s16 =	sadd.s32 @!p0 s3, s16;
	[tilespmem:v2+s18+$0x0] =	vst.idx.msk @!p0 $0x3ff, v3  }
0x97: {  	[hbm4b:s16+s17] =	stream.strided.scatter @!p0 [tilespmem:s18], [sflag:$0x2], $0x6600, s19, s17, $0x38;
	[tilespmem:$0x19C00] =	vst v63  }
.LBB2_9:
0x98: {  	_ =	sfence.sel $0x180000  }
0x99: {  	[bflag:$0x0] =	sbarrier.arrive $0xFFFF  }
0x9a: {  	p0 =	sne.s32 s2, $0x0;
	_ =	strace $0x90000047  }
0x9b: {  	s0 =	sadd.s32 @!p0 $0x100000, s0;
	[bflag:$0x2] =	sbarrier.arrive $0xFFFF  }
0x9c: {  	[sflag:s0] =	ssyncadd.tile.s32 @!p0 $0x1;
	_ =	shalt  }
.Lfunc_end2:
_tile_overlayer_lowered:
.L_overlay_start_2:
0x9d: {  	(tag) =	ssettag $0x2  }
0x9e: {  	s0 =	rddreg [dreg:$0x0];
	s2 =	stileid.u32  }
0x9f: {  	s1 =	rddreg [dreg:$0x1];
	p0 =	sne.s32 s2, $0x0  }
0xa0: {  	s3 =	rddreg [dreg:$0x2];
	[bflag:$0x3] =	sbarrier.arrive $0xFFFF;
	s2 =	simm.s32 @!p0 $0x1C05  }
0xa1: {  	[timem:s3], [sflag:s2] =	dma.local @!p0 [hbm:s0], s1  }
0xa2: {  	s0 =	simm.s32 @!p0 $0x5  }
0xa3: {  	_ =	swait.ge @!p0 [sflag:s0], s1  }
0xa4: {  	s1 =	ssub.s32 @!p0 $0x0, s1;
	[sflag:s0] =	ssyncset.done @!p0 $0x0  }
0xa5: {  	[sflag:s0] =	ssyncadd.s32 @!p0 s1  }
0xa6: {  	[bflag:$0x3] =	sbarrier.arrive $0xFFFF  }
0xa7: {  	_ =	shalt  }

</sc_bundles>
